<compile_context>
chip_gen: v7x
topology: tpu7x:2x2x1
jax: 0.10.2.dev20260603
libtpu: 0.0.44.dev20260713+nightly
codegen_flags: <defaults>
</compile_context>

<pallas_src>
import functools

import jax
import jax.numpy as jnp
from jax import lax
from jax.experimental import pallas as pl
from jax.experimental.pallas import tpu as pltpu
from jax.experimental.pallas import tpu_sc as plsc

N_KEYS = 1000
DEFAULT = -1.0

L = 16
NC, NS = 2, 16
NW = NC * NS
B_TOTAL = 16384 * 26
BPW = B_TOTAL // NW
NCHUNK = 2
CB = BPW // NCHUNK

KPAD = 1008
TBL = 1024

_mesh = plsc.VectorSubcoreMesh(
    core_axis_name="c", subcore_axis_name="s", num_cores=NC, num_subcores=NS
)


@functools.partial(
    pl.kernel,
    out_type=jax.ShapeDtypeStruct((B_TOTAL,), jnp.float32),
    mesh=_mesh,
    scratch_types=dict(
        keys_v=pltpu.VMEM((KPAD,), jnp.int32),
        vals_v=pltpu.VMEM((KPAD,), jnp.float32),
        table_v=pltpu.VMEM((TBL,), jnp.float32),
        idx_v=pltpu.VMEM((BPW,), jnp.int32),
        res_v=pltpu.VMEM((BPW,), jnp.float32),
        in_sem0=pltpu.SemaphoreType.DMA,
        in_sem1=pltpu.SemaphoreType.DMA,
        key_sem=pltpu.SemaphoreType.DMA,
        val_sem=pltpu.SemaphoreType.DMA,
        out_sem=pltpu.SemaphoreType.DMA,
    ),
    compiler_params=pltpu.CompilerParams(
        needs_layout_passes=False, skip_device_barrier=True
    ),
)
def _lookup_kernel(ids_hbm, keys_hbm, vals_hbm, out_hbm,
                   keys_v, vals_v, table_v, idx_v, res_v,
                   in_sem0, in_sem1,
                   key_sem, val_sem, out_sem):
    wid = lax.axis_index("s") * NC + lax.axis_index("c")
    base = wid * BPW
    in_sems = (in_sem0, in_sem1)

    in_cps = [
        pltpu.async_copy(
            ids_hbm.at[pl.ds(base + k * CB, CB)],
            idx_v.at[pl.ds(k * CB, CB)],
            in_sems[k],
        )
        for k in range(NCHUNK)
    ]
    key_cp = pltpu.async_copy(keys_hbm, keys_v.at[pl.ds(0, N_KEYS)], key_sem)
    val_cp = pltpu.async_copy(vals_hbm, vals_v.at[pl.ds(0, N_KEYS)], val_sem)

    default = jnp.full((L,), DEFAULT, dtype=jnp.float32)

    @plsc.parallel_loop(0, TBL, step=L)
    def _fill(i):
        table_v[pl.ds(i, L)] = default

    key_cp.wait()
    val_cp.wait()

    n_full = N_KEYS - N_KEYS % L

    @plsc.parallel_loop(0, n_full, step=L)
    def _scatter(i):
        plsc.store_scatter(table_v, [keys_v[pl.ds(i, L)]], vals_v[pl.ds(i, L)])

    lane = lax.iota(jnp.int32, L)
    tail_mask = lane < jnp.full((L,), N_KEYS % L, dtype=jnp.int32)
    plsc.store_scatter(
        table_v, [keys_v[pl.ds(n_full, L)]], vals_v[pl.ds(n_full, L)],
        mask=tail_mask,
    )

    zero = jnp.zeros((L,), dtype=jnp.int32)
    top = jnp.full((L,), N_KEYS - 1, dtype=jnp.int32)

    out_cps = []
    for k in range(NCHUNK):
        in_cps[k].wait()

        @plsc.parallel_loop(k * CB, (k + 1) * CB, step=L, unroll=8)
        def _gather(i):
            idx = idx_v[pl.ds(i, L)]
            in_range = (idx >= zero) & (idx <= top)
            safe = jnp.minimum(jnp.maximum(idx, zero), top)
            g = plsc.load_gather(table_v, [safe])
            res_v[pl.ds(i, L)] = jnp.where(in_range, g, default)

        out_cps.append(
            pltpu.async_copy(
                res_v.at[pl.ds(k * CB, CB)],
                out_hbm.at[pl.ds(base + k * CB, CB)],
                out_sem,
            )
        )

    for cp in out_cps:
        cp.wait()


def kernel(inputs, keys, values):
    out = _lookup_kernel(inputs.reshape(-1), keys, values)
    return out.reshape(inputs.shape)

# --- scband reference (transcript-rebuilt; emitter-appended) ---
"""Pipeline reference for scband-lookup-layer-51110110822520 (READ-ONLY COPY).

The authoritative reference and input builder live on the scoring server;
editing this copy changes nothing except your own understanding.
"""

import jax, jax.numpy as jnp
import numpy as np

NUM_KEYS = 1000
DEFAULT_VALUE = -1.0

def setup_inputs(seed: int = 0) -> dict:
    key = jax.random.key(seed)
    k1, _ = jax.random.split(key)
    # forward input: sparse-feature ids, batch=16384, n_sparse_fields=26, values in [0, NUM_KEYS)
    inputs = jax.random.randint(k1, (16384, 26), 0, NUM_KEYS, dtype=jnp.int32)
    # table parameters sized per init_kwargs: keys = [0..999], values = [0.0..999.0]
    keys = jnp.arange(NUM_KEYS, dtype=jnp.int32)
    values = jnp.arange(NUM_KEYS, dtype=jnp.float32)
    return {"inputs": inputs, "keys": keys, "values": values}

def reference(inputs, keys, values):
    # tf.lookup.StaticHashTable semantics with integer keys in [0, NUM_KEYS):
    # build dense table by scatter-overwrite, then gather; missing / out-of-range
    # keys map to default_value.
    table = jnp.full((NUM_KEYS,), DEFAULT_VALUE, dtype=values.dtype).at[keys].set(values)
    in_range = (inputs >= 0) & (inputs < NUM_KEYS)
    safe_idx = jnp.clip(inputs, 0, NUM_KEYS - 1)
    out = jnp.where(in_range, jnp.take(table, safe_idx, axis=0), DEFAULT_VALUE)
    return out

if __name__ == "__main__":
    import jax
    _d = setup_inputs()
    print(jax.jit(kernel)(*tuple(_d.values())))

</pallas_src>

<mosaic_0001>
#map = affine_map<(d0, d1) -> (0)>
module attributes {stable_mosaic.version = 14 : i64} {
  func.func @_lookup_kernel(%arg0: i32, %arg1: i32, %arg2: memref<425984xi32, #tpu.memory_space<hbm>>, %arg3: memref<1000xi32, #tpu.memory_space<hbm>>, %arg4: memref<1000xf32, #tpu.memory_space<hbm>>, %arg5: memref<425984xf32, #tpu.memory_space<hbm>>, %arg6: memref<13312xi32, #tpu.memory_space<vmem>>, %arg7: memref<!tpu.dma_semaphore, #tpu.memory_space<semaphore_mem>>, %arg8: memref<!tpu.dma_semaphore, #tpu.memory_space<semaphore_mem>>, %arg9: memref<!tpu.dma_semaphore, #tpu.memory_space<semaphore_mem>>, %arg10: memref<1008xi32, #tpu.memory_space<vmem>>, %arg11: memref<!tpu.dma_semaphore, #tpu.memory_space<semaphore_mem>>, %arg12: memref<13312xf32, #tpu.memory_space<vmem>>, %arg13: memref<1024xf32, #tpu.memory_space<vmem>>, %arg14: memref<!tpu.dma_semaphore, #tpu.memory_space<semaphore_mem>>, %arg15: memref<1008xf32, #tpu.memory_space<vmem>>) attributes {dimension_semantics = [#tpu.dimension_semantics<core_parallel>, #tpu.dimension_semantics<subcore_parallel>], iteration_bounds = array<i64: 2, 16>, scalar_prefetch = 0 : i64, scratch_operands = 10 : i64, tpu.core_type = #tpu.core_type<sc_vector_subcore>, window_params = [{transform_indices = #map}, {transform_indices = #map}, {transform_indices = #map}, {transform_indices = #map}]} {
    %mul3A = arith.constant 2 : i32
    %mul3A_0 = arith.muli %arg1, %mul3A : i32
    %add3A = arith.addi %mul3A_0, %arg0 : i32
    %mul3A_1 = arith.constant 13312 : i32
    %mul3A_2 = arith.muli %add3A, %mul3A_1 : i32
    %add3A_3 = arith.constant 0 : i32
    %add3A_4 = arith.addi %mul3A_2, %add3A_3 : i32
    %dma_start3A = arith.constant 0 : i32
    %dma_start3A_5 = tpu.memref_slice %arg6[%dma_start3A] : memref<13312xi32, #tpu.memory_space<vmem>> -> memref<6656xi32, #tpu.memory_space<vmem>>
    %dma_start3A_6 = tpu.memref_slice %arg2[%add3A_4] : memref<425984xi32, #tpu.memory_space<hbm>> -> memref<6656xi32, #tpu.memory_space<hbm>>
    %dma_start3A_7 = arith.constant 0 : i32
    %dma_start3A_8 = tpu.memref_slice %arg6[%dma_start3A_7] : memref<13312xi32, #tpu.memory_space<vmem>> -> memref<6656xi32, #tpu.memory_space<vmem>>
    %dma_start3A_9 = tpu.memref_slice %arg2[%add3A_4] : memref<425984xi32, #tpu.memory_space<hbm>> -> memref<6656xi32, #tpu.memory_space<hbm>>
    tpu.enqueue_dma source(%dma_start3A_9 : memref<6656xi32, #tpu.memory_space<hbm>>) target(%dma_start3A_8 : memref<6656xi32, #tpu.memory_space<vmem>>) target_semaphore(%arg7 : memref<!tpu.dma_semaphore, #tpu.memory_space<semaphore_mem>>)
    %add3A_10 = arith.constant 6656 : i32
    %add3A_11 = arith.addi %mul3A_2, %add3A_10 : i32
    %dma_start3A_12 = arith.constant 6656 : i32
    %dma_start3A_13 = tpu.memref_slice %arg6[%dma_start3A_12] : memref<13312xi32, #tpu.memory_space<vmem>> -> memref<6656xi32, #tpu.memory_space<vmem>>
    %dma_start3A_14 = tpu.memref_slice %arg2[%add3A_11] : memref<425984xi32, #tpu.memory_space<hbm>> -> memref<6656xi32, #tpu.memory_space<hbm>>
    %dma_start3A_15 = arith.constant 6656 : i32
    %dma_start3A_16 = tpu.memref_slice %arg6[%dma_start3A_15] : memref<13312xi32, #tpu.memory_space<vmem>> -> memref<6656xi32, #tpu.memory_space<vmem>>
    %dma_start3A_17 = tpu.memref_slice %arg2[%add3A_11] : memref<425984xi32, #tpu.memory_space<hbm>> -> memref<6656xi32, #tpu.memory_space<hbm>>
    tpu.enqueue_dma source(%dma_start3A_17 : memref<6656xi32, #tpu.memory_space<hbm>>) target(%dma_start3A_16 : memref<6656xi32, #tpu.memory_space<vmem>>) target_semaphore(%arg8 : memref<!tpu.dma_semaphore, #tpu.memory_space<semaphore_mem>>)
    %dma_start3A_18 = arith.constant 0 : i32
    %dma_start3A_19 = tpu.memref_slice %arg10[%dma_start3A_18] : memref<1008xi32, #tpu.memory_space<vmem>> -> memref<1000xi32, #tpu.memory_space<vmem>>
    %dma_start3A_20 = arith.constant 0 : i32
    %dma_start3A_21 = tpu.memref_slice %arg10[%dma_start3A_20] : memref<1008xi32, #tpu.memory_space<vmem>> -> memref<1000xi32, #tpu.memory_space<vmem>>
    tpu.enqueue_dma source(%arg3 : memref<1000xi32, #tpu.memory_space<hbm>>) target(%dma_start3A_21 : memref<1000xi32, #tpu.memory_space<vmem>>) target_semaphore(%arg9 : memref<!tpu.dma_semaphore, #tpu.memory_space<semaphore_mem>>)
    %dma_start3A_22 = arith.constant 0 : i32
    %dma_start3A_23 = tpu.memref_slice %arg15[%dma_start3A_22] : memref<1008xf32, #tpu.memory_space<vmem>> -> memref<1000xf32, #tpu.memory_space<vmem>>
    %dma_start3A_24 = arith.constant 0 : i32
    %dma_start3A_25 = tpu.memref_slice %arg15[%dma_start3A_24] : memref<1008xf32, #tpu.memory_space<vmem>> -> memref<1000xf32, #tpu.memory_space<vmem>>
    tpu.enqueue_dma source(%arg4 : memref<1000xf32, #tpu.memory_space<hbm>>) target(%dma_start3A_25 : memref<1000xf32, #tpu.memory_space<vmem>>) target_semaphore(%arg14 : memref<!tpu.dma_semaphore, #tpu.memory_space<semaphore_mem>>)
    %broadcast_in_dim3A = arith.constant -1.000000e+00 : f32
    %broadcast_in_dim3A_26 = vector.broadcast %broadcast_in_dim3A : f32 to vector<16xf32>
    %parallel_loop3A = arith.constant 0 : i32
    %parallel_loop3A_27 = arith.constant 1024 : i32
    %parallel_loop3A_28 = arith.constant 16 : i32
    scf.for %parallel_loop3A_94 = %parallel_loop3A to %parallel_loop3A_27 step %parallel_loop3A_28  : i32 {
      %parallel_loop3A_95 = arith.index_cast %parallel_loop3A_94 : i32 to index
      %parallel_loop3A_96 = tpu.vector_load %arg13[%parallel_loop3A_95] {strides = array<i32>} : memref<1024xf32, #tpu.memory_space<vmem>>, vector<16xf32>,
      tpu.vector_store %arg13[%parallel_loop3A_95], %broadcast_in_dim3A_26 {strides = array<i32>} : memref<1024xf32, #tpu.memory_space<vmem>>, vector<16xf32>,
    } {sc.loop_unroll_factor = 1 : i64, sc.parallel_access}
    %dma_wait3A = arith.constant 0 : i32
    %dma_wait3A_29 = tpu.memref_slice %arg10[%dma_wait3A] : memref<1008xi32, #tpu.memory_space<vmem>> -> memref<1000xi32, #tpu.memory_space<vmem>>
    %dma_wait3A_30 = arith.constant 0 : i32
    %dma_wait3A_31 = tpu.memref_slice %arg10[%dma_wait3A_30] : memref<1008xi32, #tpu.memory_space<vmem>> -> memref<1000xi32, #tpu.memory_space<vmem>>
    tpu.wait_dma2 semaphore(%arg9 : memref<!tpu.dma_semaphore, #tpu.memory_space<semaphore_mem>>) src(%arg3 : memref<1000xi32, #tpu.memory_space<hbm>>) dst(%dma_wait3A_31 : memref<1000xi32, #tpu.memory_space<vmem>>)
    %dma_wait3A_32 = arith.constant 0 : i32
    %dma_wait3A_33 = tpu.memref_slice %arg15[%dma_wait3A_32] : memref<1008xf32, #tpu.memory_space<vmem>> -> memref<1000xf32, #tpu.memory_space<vmem>>
    %dma_wait3A_34 = arith.constant 0 : i32
    %dma_wait3A_35 = tpu.memref_slice %arg15[%dma_wait3A_34] : memref<1008xf32, #tpu.memory_space<vmem>> -> memref<1000xf32, #tpu.memory_space<vmem>>
    tpu.wait_dma2 semaphore(%arg14 : memref<!tpu.dma_semaphore, #tpu.memory_space<semaphore_mem>>) src(%arg4 : memref<1000xf32, #tpu.memory_space<hbm>>) dst(%dma_wait3A_35 : memref<1000xf32, #tpu.memory_space<vmem>>)
    %parallel_loop3A_36 = arith.constant 0 : i32
    %parallel_loop3A_37 = arith.constant 992 : i32
    %parallel_loop3A_38 = arith.constant 16 : i32
    scf.for %parallel_loop3A_94 = %parallel_loop3A_36 to %parallel_loop3A_37 step %parallel_loop3A_38  : i32 {
      %parallel_loop3A_95 = arith.index_cast %parallel_loop3A_94 : i32 to index
      %parallel_loop3A_96 = tpu.vector_load %arg10[%parallel_loop3A_95] {strides = array<i32>} : memref<1008xi32, #tpu.memory_space<vmem>>, vector<16xi32>,
      %parallel_loop3A_97 = arith.index_cast %parallel_loop3A_94 : i32 to index
      %parallel_loop3A_98 = tpu.vector_load %arg15[%parallel_loop3A_97] {strides = array<i32>} : memref<1008xf32, #tpu.memory_space<vmem>>, vector<16xf32>,
      tpu.vector_store_idx %arg13[%parallel_loop3A_96], %parallel_loop3A_98 : memref<1024xf32, #tpu.memory_space<vmem>>[vector<16xi32>], vector<16xf32>,
    } {sc.loop_unroll_factor = 1 : i64, sc.parallel_access}
    %iota3A = tpu.iota {dimensions = array<i32: 0>} : vector<16xi32>
    %broadcast_in_dim3A_39 = arith.constant 8 : i32
    %broadcast_in_dim3A_40 = vector.broadcast %broadcast_in_dim3A_39 : i32 to vector<16xi32>
    %lt3A = arith.cmpi slt, %iota3A, %broadcast_in_dim3A_40 : vector<16xi32>
    %get3A = arith.constant 992 : index
    %get3A_41 = tpu.vector_load %arg10[%get3A] {strides = array<i32>} : memref<1008xi32, #tpu.memory_space<vmem>>, vector<16xi32>,
    %get3A_42 = arith.constant 992 : index
    %get3A_43 = tpu.vector_load %arg15[%get3A_42] {strides = array<i32>} : memref<1008xf32, #tpu.memory_space<vmem>>, vector<16xf32>,
    tpu.vector_store_idx %arg13[%get3A_41], %get3A_43 masked %lt3A : memref<1024xf32, #tpu.memory_space<vmem>>[vector<16xi32>], vector<16xf32>, vector<16xi1>
    %broadcast_in_dim3A_44 = arith.constant 0 : i32
    %broadcast_in_dim3A_45 = vector.broadcast %broadcast_in_dim3A_44 : i32 to vector<16xi32>
    %broadcast_in_dim3A_46 = arith.constant 999 : i32
    %broadcast_in_dim3A_47 = vector.broadcast %broadcast_in_dim3A_46 : i32 to vector<16xi32>
    %dma_wait3A_48 = arith.constant 0 : i32
    %dma_wait3A_49 = tpu.memref_slice %arg6[%dma_wait3A_48] : memref<13312xi32, #tpu.memory_space<vmem>> -> memref<6656xi32, #tpu.memory_space<vmem>>
    %dma_wait3A_50 = tpu.memref_slice %arg2[%add3A_4] : memref<425984xi32, #tpu.memory_space<hbm>> -> memref<6656xi32, #tpu.memory_space<hbm>>
    %dma_wait3A_51 = arith.constant 0 : i32
    %dma_wait3A_52 = tpu.memref_slice %arg6[%dma_wait3A_51] : memref<13312xi32, #tpu.memory_space<vmem>> -> memref<6656xi32, #tpu.memory_space<vmem>>
    %dma_wait3A_53 = tpu.memref_slice %arg2[%add3A_4] : memref<425984xi32, #tpu.memory_space<hbm>> -> memref<6656xi32, #tpu.memory_space<hbm>>
    tpu.wait_dma2 semaphore(%arg7 : memref<!tpu.dma_semaphore, #tpu.memory_space<semaphore_mem>>) src(%dma_wait3A_53 : memref<6656xi32, #tpu.memory_space<hbm>>) dst(%dma_wait3A_52 : memref<6656xi32, #tpu.memory_space<vmem>>)
    %parallel_loop3A_54 = arith.constant 0 : i32
    %parallel_loop3A_55 = arith.constant 6656 : i32
    %parallel_loop3A_56 = arith.constant 16 : i32
    scf.for %parallel_loop3A_94 = %parallel_loop3A_54 to %parallel_loop3A_55 step %parallel_loop3A_56  : i32 {
      %parallel_loop3A_95 = arith.index_cast %parallel_loop3A_94 : i32 to index
      %parallel_loop3A_96 = tpu.vector_load %arg6[%parallel_loop3A_95] {strides = array<i32>} : memref<13312xi32, #tpu.memory_space<vmem>>, vector<16xi32>,
      %parallel_loop3A_97 = arith.cmpi sge, %parallel_loop3A_96, %broadcast_in_dim3A_45 : vector<16xi32>
      %parallel_loop3A_98 = arith.cmpi sle, %parallel_loop3A_96, %broadcast_in_dim3A_47 : vector<16xi32>
      %parallel_loop3A_99 = arith.andi %parallel_loop3A_97, %parallel_loop3A_98 : vector<16xi1>
      %parallel_loop3A_100 = arith.maxsi %parallel_loop3A_96, %broadcast_in_dim3A_45 : vector<16xi32>
      %parallel_loop3A_101 = arith.minsi %parallel_loop3A_100, %broadcast_in_dim3A_47 : vector<16xi32>
      %parallel_loop3A_102 = tpu.vector_load_idx %arg13[%parallel_loop3A_101] : memref<1024xf32, #tpu.memory_space<vmem>>[vector<16xi32>], vector<16xf32>,
      %parallel_loop3A_103 = arith.select %parallel_loop3A_99, %parallel_loop3A_102, %broadcast_in_dim3A_26 : vector<16xi1>, vector<16xf32>
      %parallel_loop3A_104 = arith.index_cast %parallel_loop3A_94 : i32 to index
      %parallel_loop3A_105 = tpu.vector_load %arg12[%parallel_loop3A_104] {strides = array<i32>} : memref<13312xf32, #tpu.memory_space<vmem>>, vector<16xf32>,
      tpu.vector_store %arg12[%parallel_loop3A_104], %parallel_loop3A_103 {strides = array<i32>} : memref<13312xf32, #tpu.memory_space<vmem>>, vector<16xf32>,
    } {sc.loop_unroll_factor = 8 : i64, sc.parallel_access}
    %add3A_57 = arith.constant 0 : i32
    %add3A_58 = arith.addi %mul3A_2, %add3A_57 : i32
    %dma_start3A_59 = arith.constant 0 : i32
    %dma_start3A_60 = tpu.memref_slice %arg12[%dma_start3A_59] : memref<13312xf32, #tpu.memory_space<vmem>> -> memref<6656xf32, #tpu.memory_space<vmem>>
    %dma_start3A_61 = tpu.memref_slice %arg5[%add3A_58] : memref<425984xf32, #tpu.memory_space<hbm>> -> memref<6656xf32, #tpu.memory_space<hbm>>
    %dma_start3A_62 = tpu.memref_slice %arg5[%add3A_58] : memref<425984xf32, #tpu.memory_space<hbm>> -> memref<6656xf32, #tpu.memory_space<hbm>>
    %dma_start3A_63 = arith.constant 0 : i32
    %dma_start3A_64 = tpu.memref_slice %arg12[%dma_start3A_63] : memref<13312xf32, #tpu.memory_space<vmem>> -> memref<6656xf32, #tpu.memory_space<vmem>>
    tpu.enqueue_dma source(%dma_start3A_64 : memref<6656xf32, #tpu.memory_space<vmem>>) target(%dma_start3A_62 : memref<6656xf32, #tpu.memory_space<hbm>>) target_semaphore(%arg11 : memref<!tpu.dma_semaphore, #tpu.memory_space<semaphore_mem>>)
    %dma_wait3A_65 = arith.constant 6656 : i32
    %dma_wait3A_66 = tpu.memref_slice %arg6[%dma_wait3A_65] : memref<13312xi32, #tpu.memory_space<vmem>> -> memref<6656xi32, #tpu.memory_space<vmem>>
    %dma_wait3A_67 = tpu.memref_slice %arg2[%add3A_11] : memref<425984xi32, #tpu.memory_space<hbm>> -> memref<6656xi32, #tpu.memory_space<hbm>>
    %dma_wait3A_68 = arith.constant 6656 : i32
    %dma_wait3A_69 = tpu.memref_slice %arg6[%dma_wait3A_68] : memref<13312xi32, #tpu.memory_space<vmem>> -> memref<6656xi32, #tpu.memory_space<vmem>>
    %dma_wait3A_70 = tpu.memref_slice %arg2[%add3A_11] : memref<425984xi32, #tpu.memory_space<hbm>> -> memref<6656xi32, #tpu.memory_space<hbm>>
    tpu.wait_dma2 semaphore(%arg8 : memref<!tpu.dma_semaphore, #tpu.memory_space<semaphore_mem>>) src(%dma_wait3A_70 : memref<6656xi32, #tpu.memory_space<hbm>>) dst(%dma_wait3A_69 : memref<6656xi32, #tpu.memory_space<vmem>>)
    %parallel_loop3A_71 = arith.constant 6656 : i32
    %parallel_loop3A_72 = arith.constant 13312 : i32
    %parallel_loop3A_73 = arith.constant 16 : i32
    scf.for %parallel_loop3A_94 = %parallel_loop3A_71 to %parallel_loop3A_72 step %parallel_loop3A_73  : i32 {
      %parallel_loop3A_95 = arith.index_cast %parallel_loop3A_94 : i32 to index
      %parallel_loop3A_96 = tpu.vector_load %arg6[%parallel_loop3A_95] {strides = array<i32>} : memref<13312xi32, #tpu.memory_space<vmem>>, vector<16xi32>,
      %parallel_loop3A_97 = arith.cmpi sge, %parallel_loop3A_96, %broadcast_in_dim3A_45 : vector<16xi32>
      %parallel_loop3A_98 = arith.cmpi sle, %parallel_loop3A_96, %broadcast_in_dim3A_47 : vector<16xi32>
      %parallel_loop3A_99 = arith.andi %parallel_loop3A_97, %parallel_loop3A_98 : vector<16xi1>
      %parallel_loop3A_100 = arith.maxsi %parallel_loop3A_96, %broadcast_in_dim3A_45 : vector<16xi32>
      %parallel_loop3A_101 = arith.minsi %parallel_loop3A_100, %broadcast_in_dim3A_47 : vector<16xi32>
      %parallel_loop3A_102 = tpu.vector_load_idx %arg13[%parallel_loop3A_101] : memref<1024xf32, #tpu.memory_space<vmem>>[vector<16xi32>], vector<16xf32>,
      %parallel_loop3A_103 = arith.select %parallel_loop3A_99, %parallel_loop3A_102, %broadcast_in_dim3A_26 : vector<16xi1>, vector<16xf32>
      %parallel_loop3A_104 = arith.index_cast %parallel_loop3A_94 : i32 to index
      %parallel_loop3A_105 = tpu.vector_load %arg12[%parallel_loop3A_104] {strides = array<i32>} : memref<13312xf32, #tpu.memory_space<vmem>>, vector<16xf32>,
      tpu.vector_store %arg12[%parallel_loop3A_104], %parallel_loop3A_103 {strides = array<i32>} : memref<13312xf32, #tpu.memory_space<vmem>>, vector<16xf32>,
    } {sc.loop_unroll_factor = 8 : i64, sc.parallel_access}
    %add3A_74 = arith.constant 6656 : i32
    %add3A_75 = arith.addi %mul3A_2, %add3A_74 : i32
    %dma_start3A_76 = arith.constant 6656 : i32
    %dma_start3A_77 = tpu.memref_slice %arg12[%dma_start3A_76] : memref<13312xf32, #tpu.memory_space<vmem>> -> memref<6656xf32, #tpu.memory_space<vmem>>
    %dma_start3A_78 = tpu.memref_slice %arg5[%add3A_75] : memref<425984xf32, #tpu.memory_space<hbm>> -> memref<6656xf32, #tpu.memory_space<hbm>>
    %dma_start3A_79 = tpu.memref_slice %arg5[%add3A_75] : memref<425984xf32, #tpu.memory_space<hbm>> -> memref<6656xf32, #tpu.memory_space<hbm>>
    %dma_start3A_80 = arith.constant 6656 : i32
    %dma_start3A_81 = tpu.memref_slice %arg12[%dma_start3A_80] : memref<13312xf32, #tpu.memory_space<vmem>> -> memref<6656xf32, #tpu.memory_space<vmem>>
    tpu.enqueue_dma source(%dma_start3A_81 : memref<6656xf32, #tpu.memory_space<vmem>>) target(%dma_start3A_79 : memref<6656xf32, #tpu.memory_space<hbm>>) target_semaphore(%arg11 : memref<!tpu.dma_semaphore, #tpu.memory_space<semaphore_mem>>)
    %dma_wait3A_82 = arith.constant 0 : i32
    %dma_wait3A_83 = tpu.memref_slice %arg12[%dma_wait3A_82] : memref<13312xf32, #tpu.memory_space<vmem>> -> memref<6656xf32, #tpu.memory_space<vmem>>
    %dma_wait3A_84 = tpu.memref_slice %arg5[%add3A_58] : memref<425984xf32, #tpu.memory_space<hbm>> -> memref<6656xf32, #tpu.memory_space<hbm>>
    %dma_wait3A_85 = tpu.memref_slice %arg5[%add3A_58] : memref<425984xf32, #tpu.memory_space<hbm>> -> memref<6656xf32, #tpu.memory_space<hbm>>
    %dma_wait3A_86 = arith.constant 0 : i32
    %dma_wait3A_87 = tpu.memref_slice %arg12[%dma_wait3A_86] : memref<13312xf32, #tpu.memory_space<vmem>> -> memref<6656xf32, #tpu.memory_space<vmem>>
    tpu.wait_dma2 semaphore(%arg11 : memref<!tpu.dma_semaphore, #tpu.memory_space<semaphore_mem>>) src(%dma_wait3A_87 : memref<6656xf32, #tpu.memory_space<vmem>>) dst(%dma_wait3A_85 : memref<6656xf32, #tpu.memory_space<hbm>>)
    %dma_wait3A_88 = arith.constant 6656 : i32
    %dma_wait3A_89 = tpu.memref_slice %arg12[%dma_wait3A_88] : memref<13312xf32, #tpu.memory_space<vmem>> -> memref<6656xf32, #tpu.memory_space<vmem>>
    %dma_wait3A_90 = tpu.memref_slice %arg5[%add3A_75] : memref<425984xf32, #tpu.memory_space<hbm>> -> memref<6656xf32, #tpu.memory_space<hbm>>
    %dma_wait3A_91 = tpu.memref_slice %arg5[%add3A_75] : memref<425984xf32, #tpu.memory_space<hbm>> -> memref<6656xf32, #tpu.memory_space<hbm>>
    %dma_wait3A_92 = arith.constant 6656 : i32
    %dma_wait3A_93 = tpu.memref_slice %arg12[%dma_wait3A_92] : memref<13312xf32, #tpu.memory_space<vmem>> -> memref<6656xf32, #tpu.memory_space<vmem>>
    tpu.wait_dma2 semaphore(%arg11 : memref<!tpu.dma_semaphore, #tpu.memory_space<semaphore_mem>>) src(%dma_wait3A_93 : memref<6656xf32, #tpu.memory_space<vmem>>) dst(%dma_wait3A_91 : memref<6656xf32, #tpu.memory_space<hbm>>)
    return
  }
}

</mosaic_0001>

<sc_bundles>
// kernel: kernel.3.cloned.1.call-start
scs
__scs_entry_jumppad:
0x0: {  	(pc) =	sbr.rel $0x88, $3  }
0x1: {  	(tag) =	ssettag $0x0;
	lr =	simm.s32 $0x1  }
0x2: {  	[smem:$0x3F9E] =	sst lr;
	_ =	strace $0xD0000000  }
0x3: {  	_ = 	snop  }
0x4: {  	_ = 	snop  }
0x5: {  	_ = 	snop  }
0x6: {  	_ = 	snop  }
0x7: {  	_ = 	snop  }
__scs_overlays_trampoline_lowered:
0x8: {  	[smem:$0x3FAD] =	sst s0  }
0x9: {  	[smem:$0x3FAE] =	sst s1  }
0xa: {  	[smem:$0x3FAF] =	sst s2  }
0xb: {  	[smem:$0x3FB0] =	sst s3  }
0xc: {  	[smem:$0x3FB1] =	sst s4  }
0xd: {  	[smem:$0x3FB2] =	sst s5  }
0xe: {  	[smem:$0x3FB3] =	sst s6  }
0xf: {  	[smem:$0x3FB4] =	sst s7  }
0x10: {  	[smem:$0x3FB5] =	sst s8  }
0x11: {  	[smem:$0x3FB6] =	sst s9;
	s0 =	simm.s32 @!p0 $0x0  }
0x12: {  	s1 =	sld [smem:$0x3F9C];
	s0 =	simm.s32 @p0 $0x1  }
0x13: {  	[smem:$0x3FB7] =	sst s0;
	s0 =	simm.s32 @!p1 $0x0  }
0x14: {  	s2 =	sld [smem:$0x3F9B];
	s0 =	simm.s32 @p1 $0x1  }
0x15: {  	[smem:$0x3FB8] =	sst s0;
	s0 =	simm.s32 @!p2 $0x0  }
0x16: {  	s3 =	sld [smem:$0x3FDB];
	s0 =	simm.s32 @p2 $0x1  }
0x17: {  	s4 =	simm.s32 $0x1BF5;
	[smem:$0x3FBA] =	sst s0  }
0x18: {  	s0 =	sld [smem:$0x3F9D];
	_ =	swait.ge [sflag:s4], $0x0  }
0x19: {  	s7 =	sld [smem:$0x3F9E]  }
0x1a: {  	s8 =	sadd.s32 $0xFFFFE003, lr  }
0x1b: {  	s9 =	sadd.s32 $0xFFFFFEF7, lr;
	s5 =	simm.s32 $0xFFFFFFFF;
	p2 =	slt.u32 s8, $0xFFFFF086  }
0x1c: {  	p1 =	slt.u32 s9, $0xF7A;
	s5 =	simm.s32 @!p2 $0x0  }
0x1d: {  	s5 =	simm.s32 @p1 $0x1;
	p0 =	seq.s32 s7, s2  }
0x1e: {  	s7 =	smul.u32 @!p0 $0xF7A, s2;
	p2 =	seq.s32 @!p0 s5, $0x0  }
0x1f: {  	s9 =	smul.u32 $0xF7A, s1;
	s8 =	simm.s32 @!p0 $0x1BF5;
	p2 =	por !p2, p0  }
0x20: {  	[sflag:s8] =	ssyncset.s32 @!p0 $0xFFFFF086;
	s6 =	sadd.s32 @!p0 s3, s7;
	s7 =	simm.s32 @!p0 $0x108  }
0x21: {  	s3 =	sadd.s32 s3, s9;
	s6 =	sadd.s32 @!p0 $0x88, s6;
	s7 =	simm.s32 @p2 $0x1082  }
0x22: {  	[simem:s7], [sflag:s8] =	dma.local @!p0 [hbm:s6], $0xF7A  }
0x23: {  	s9 =	sor.u32 $0xD0000000, s2;
	s6 =	simm.s32 $0x108;
	_ =	swait.ge @!p0 [sflag:s8], $0x0  }
0x24: {  	s3 =	sadd.s32 $0x88, s3;
	s6 =	simm.s32 @!p1 $0x1082;
	[sflag:s4] =	ssyncset.s32 $0xFFFFF086  }
0x25: {  	[simem:s6], [sflag:s4] =	dma.local [hbm:s3], $0xF7A  }
0x26: {  	[smem:$0x3F9E] =	sst s1;
	(tag) =	ssettag s2;
	_ =	strace s9  }
0x27: {  	s1 =	sld [smem:$0x3FAE]  }
0x28: {  	s2 =	sld [smem:$0x3FAF]  }
0x29: {  	s4 =	sld [smem:$0x3FB1]  }
0x2a: {  	p0 =	seq.s32 s5, $0x0;
	s5 =	sld [smem:$0x3FB2]  }
0x2b: {  	s6 =	sld [smem:$0x3FB3]  }
0x2c: {  	s7 =	sld [smem:$0x3FB4]  }
0x2d: {  	s3 =	simm.s32 $0x108;
	s8 =	sld [smem:$0x3FB5]  }
0x2e: {  	s3 =	simm.s32 @!p0 $0x1082;
	s9 =	sld [smem:$0x3FB6]  }
0x2f: {  	lr =	sadd.s32 s0, s3;
	s0 =	sld [smem:$0x3FAD]  }
0x30: {  	s3 =	sld [smem:$0x3FB0]  }
0x31: {  	[smem:$0x3FB9] =	sst s10  }
0x32: {  	s10 =	sld [smem:$0x3FB7];
	_ =	sdelay $0x3  }
0x33: {  	p0 =	seq.s32 s10, $0x1;
	s10 =	sld [smem:$0x3FB9];
	_ =	sdelay $0x3  }
0x34: {  	[smem:$0x3FB9] =	sst s10  }
0x35: {  	s10 =	sld [smem:$0x3FB8];
	_ =	sdelay $0x3  }
0x36: {  	p1 =	seq.s32 s10, $0x1;
	s10 =	sld [smem:$0x3FB9];
	_ =	sdelay $0x3  }
0x37: {  	[smem:$0x3FB9] =	sst s10  }
0x38: {  	s10 =	sld [smem:$0x3FBA]  }
0x39: {  	_ = 	snop;
	(pc) =	sbr.ind lr, $3  }
0x3a: {  	_ = 	snop  }
0x3b: {  	_ = 	snop  }
0x3c: {  	p2 =	seq.s32 s10, $0x1;
	s10 =	sld [smem:$0x3FB9]  }
0x3d: {  	_ =	shalt  }
0x3e: {  	_ =	shalt  }
0x3f: {  	_ =	shalt  }
0x40: {  	_ =	shalt  }
0x41: {  	_ =	shalt  }
0x42: {  	_ =	shalt  }
0x43: {  	_ =	shalt  }
0x44: {  	_ =	shalt  }
0x45: {  	_ =	shalt  }
0x46: {  	_ =	shalt  }
0x47: {  	_ =	shalt  }
0x48: {  	_ =	shalt  }
0x49: {  	_ =	shalt  }
0x4a: {  	_ =	shalt  }
0x4b: {  	_ =	shalt  }
0x4c: {  	_ =	shalt  }
0x4d: {  	_ =	shalt  }
0x4e: {  	_ =	shalt  }
0x4f: {  	_ =	shalt  }
0x50: {  	_ =	shalt  }
0x51: {  	_ =	shalt  }
0x52: {  	_ =	shalt  }
0x53: {  	_ =	shalt  }
0x54: {  	_ =	shalt  }
0x55: {  	_ =	shalt  }
0x56: {  	_ =	shalt  }
0x57: {  	_ =	shalt  }
0x58: {  	_ =	shalt  }
0x59: {  	_ =	shalt  }
0x5a: {  	_ =	shalt  }
0x5b: {  	_ =	shalt  }
0x5c: {  	_ =	shalt  }
0x5d: {  	_ =	shalt  }
0x5e: {  	_ =	shalt  }
0x5f: {  	_ =	shalt  }
0x60: {  	_ =	shalt  }
0x61: {  	_ =	shalt  }
0x62: {  	_ =	shalt  }
0x63: {  	_ =	shalt  }
0x64: {  	_ =	shalt  }
0x65: {  	_ =	shalt  }
0x66: {  	_ =	shalt  }
0x67: {  	_ =	shalt  }
0x68: {  	_ =	shalt  }
0x69: {  	_ =	shalt  }
0x6a: {  	_ =	shalt  }
0x6b: {  	_ =	shalt  }
0x6c: {  	_ =	shalt  }
0x6d: {  	_ =	shalt  }
0x6e: {  	_ =	shalt  }
0x6f: {  	_ =	shalt  }
0x70: {  	_ =	shalt  }
0x71: {  	_ =	shalt  }
0x72: {  	_ =	shalt  }
0x73: {  	_ =	shalt  }
0x74: {  	_ =	shalt  }
0x75: {  	_ =	shalt  }
0x76: {  	_ =	shalt  }
0x77: {  	_ =	shalt  }
0x78: {  	_ =	shalt  }
0x79: {  	_ =	shalt  }
0x7a: {  	_ =	shalt  }
0x7b: {  	_ =	shalt  }
0x7c: {  	_ =	shalt  }
0x7d: {  	_ =	shalt  }
0x7e: {  	_ =	shalt  }
0x7f: {  	_ =	shalt  }
0x80: {  	_ =	shalt  }
0x81: {  	_ =	shalt  }
0x82: {  	_ =	shalt  }
0x83: {  	_ =	shalt  }
0x84: {  	_ =	shalt  }
0x85: {  	_ =	shalt  }
0x86: {  	_ =	shalt  }
0x87: {  	_ =	shalt  }
.Lfunc_end0:
.L_simem_size_0:
called_computation_lowered:
.L_overlay_start_0:
0x88: {  	s2 =	sld [smem:$0x3FD9]  }
0x89: {  	s3 =	sld [smem:$0x3FFE];
	_ =	sdelay $0x1  }
0x8a: {  	s1 =	srdreg.scid  }
0x8b: {  	s0 =	sand.u32 $0x1, s1  }
0x8c: {  	s17 =	sshll.u32 s0, $0xA;
	s2 =	sadd.s32 s3, s2  }
0x8d: {  	s2 =	sadd.s32 s2, s17  }
0x8e: {  	[smem:$0x3FC5] =	sst s2  }
0x8f: {  	_ = 	snop  }
0x90: {  	s2 =	sld [smem:$0x3FC8]  }
0x91: {  	s18 =	sld [smem:$0x3FC7]  }
0x92: {  	s4 =	sld [smem:$0x3FD0];
	(tm) =	ssettm $0x1  }
0x93: {  	s5 =	sld [smem:$0x3FFB];
	_ =	sdelay $0x3  }
0x94: {  	_ =	strace s5  }
0x95: {  	s5 =	sld [smem:$0x3FFC];
	_ =	sdelay $0x3  }
0x96: {  	_ =	strace s5  }
0x97: {  	s5 =	sld [smem:$0x3FFD];
	_ =	sdelay $0x3  }
0x98: {  	_ =	strace s5  }
0x99: {  	_ =	strace $0x8FFFFFFF  }
0x9a: {  	s19 =	sld [smem:$0x3FDB];
	_ =	sdelay $0x1  }
0x9b: {  	s6 =	simm.s32 $_scs_section_size  }
0x9c: {  	s7 =	simm.s32 $_size__tile_overlayer_lowered;
	s8 =	simm.s32 $_tile_overlayer_lowered  }
0x9d: {  	s22 =	simm.s32 $0x1BFF;
	s21 =	sshll.u32 s8, $0x1;
	s5 =	sadd.s32 s6, s19  }
0x9e: {  	s9 =	simm.s32 $0x0;
	s20 =	sshll.u32 s7, $0x1;
	s7 =	sadd.s32 s21, s5  }
0x9f: {  	[timem:s9], [sflag:s22] =	dma.local [hbm:s7], s20  }
0xa0: {  	_ =	swait.ge [sflag:s22], s20  }
0xa1: {  	s6 =	ssub.s32 $0x0, s20;
	[sflag:s22] =	ssyncset.done $0x0  }
0xa2: {  	[sflag:s22] =	ssyncadd.s32 s6;
	_ =	sdelay $0x1  }
0xa3: {  	s23 =	simm.s32 $0x1B8B  }
0xa4: {  	_ =	swait.ge [sflag:s23], $0x1  }
0xa5: {  	[sflag:s23] =	ssyncset.done $0x0  }
0xa6: {  	s25 =	simm.s32 $0x1B8E;
	s24 =	sld [smem:$0x3FFE];
	[sflag:s23] =	ssyncadd.s32 $0xFFFFFFFF  }
0xa7: {  	s26 =	simm.s32 $execute0_lowered;
	[smem:$0x3FD2] =	sst s25  }
0xa8: {  	s7 =	sshll.u32 s26, $0x1;
	_ =	strace $0x80000046;
	[dreg:$0x1] =	wrdreg $0xFFFFFFFF  }
0xa9: {  	s28 =	simm.s32 $_size_execute0_lowered;
	s5 =	sadd.s32 s5, s7;
	[dreg:$0x0] =	wrdreg $0x0  }
0xaa: {  	s7 =	sshll.u32 s28, $0x1;
	[dreg:$0x2] =	wrdreg s5  }
0xab: {  	[dreg:$0x3] =	wrdreg s7  }
0xac: {  	[dreg:$0x4] =	wrdreg $0xC0  }
0xad: {  	_ =	task [dreg:s9], $0x5FFFF  }
0xae: {  	[dreg:$0x1] =	wrdreg $0xFFFFFFFF  }
0xaf: {  	[dreg:$0x0] =	wrdreg $0x60  }
0xb0: {  	[dreg:$0x2] =	wrdreg s4  }
0xb1: {  	[dreg:$0x3] =	wrdreg s2  }
0xb2: {  	[dreg:$0x4] =	wrdreg s18  }
0xb3: {  	[dreg:$0x5] =	wrdreg s24  }
0xb4: {  	[dreg:$0x6] =	wrdreg $0x9  }
0xb5: {  	_ =	task.clear_ibuf [dreg:s9], $0x7FFFF;
	_ =	strace $0x90000046  }
0xb6: {  	s29 =	simm.s32 $0x9;
	_ =	strace $0x80000048  }
0xb7: {  	_ =	swait.ge [sflag:s29], $0x1  }
0xb8: {  	[sflag:s29] =	ssyncadd.s32 $0xFFFFFFFF  }
0xb9: {  	_ =	strace $0x90000048  }
0xba: {  	_ =	sfence  }
0xbb: {  	s30 =	sld [smem:$0x0];
	_ =	sdelay $0x2  }
0xbc: {  	s31 =	sshll.u32 s1, $0xD;
	s1 =	sshrl.u32 s1, $0x2  }
0xbd: {  	s3 =	sand.u32 $0x4000, s31;
	s1 =	sadd.s32 s1, s30  }
0xbe: {  	s0 =	sor.u32 s3, s0;
	s1 =	sshll.u32 s1, $0x11  }
0xbf: {  	s0 =	sor.u32 s1, s0  }
0xc0: {  	s0 =	sadd.s32 $0x8F2B, s0  }
0xc1: {  	[sflag:s0] =	ssyncadd.remote.s32 $0x1  }
0xc2: {  	_ =	sfence.sel $0xFFFF  }
0xc3: {  	[dreg:$0x0] =	wrdreg $0xFFFFFFFF;
	(pc) =	sbr.abs _section_cstart, $3  }
0xc4: {  	[dreg:$0x1] =	wrdreg $0xFFFFFFFF  }
0xc5: {  	_ =	task.clear_ibuf [dreg:s9], $0x2FFFF;
	_ =	strace $0x9FFFFFFF  }
0xc6: {  	(tm) =	ssettm $0x7FFFFFFF  }
0xc7: {  	_ =	shalt  }
tec
execute0_lowered:
.L_overlay_start_1:
0x0: {  	(tag) =	ssettag $0x1  }
0x1: {  	s6 =	rddreg [dreg:$0x0]  }
0x2: {  	s1 =	rddreg [dreg:$0x1]  }
0x3: {  	s2 =	srdreg.scid;
	s3 =	rddreg [dreg:$0x2]  }
0x4: {  	s0 =	stileid.u32;
	s7 =	rddreg [dreg:$0x3];
	s4 =	simm.s32 $0x0  }
0x5: {  	s12 =	simm.s32 $0x7000;
	s13 =	simm.s32 $0x3;
	s14 =	simm.s32 $0x5  }
0x6: {  	s15 =	simm.s32 $0x6C00;
	s16 =	simm.s32 $0x1;
	s17 =	simm.s32 $0x3800  }
0x7: {  	s18 =	simm.s32 $0x2;
	s5 =	sand.u32 $0x1, s2;
	s30 =	sshll.u32 s0, $0x1  }
0x8: {  	s19 =	simm.s32 $0x5200;
	s20 =	simm.s32 $0x4;
	s8 =	sor.u32 s5, s30  }
0x9: {  	s21 =	simm.s32 $0x0;
	s2 =	rddreg [dreg:$0x4];
	s8 =	smul.u32 $0x3400, s8  }
0xa: {  	[smem:$0x7FF] =	sst s4;
	s9 =	sadd.s32 $0x400, s7;
	s5 =	ssub.s32 $0x2, s5  }
0xb: {  	_ =	strace $0x80000047;
	s31 =	sshrl.u32 s5, $0x1;
	s8 =	sshrl.u32 s8, $0x3  }
0xc: {  	s11 =	ssub.s32 s5, s31;
	s10 =	sadd.s32 $0x340, s8;
	s5 =	sadd.s32 s6, s8  }
0xd: {  	s7 =	sadd.s32 s9, s8;
	s6 =	sadd.s32 s6, s10;
	s8 =	sadd.s32 s9, s10  }
0xe: {  	v0 =	vimm.f32 $-1.000000000e+00;
	s9 =	smax.u32 s11, $0x1;
	s10 =	simm.s32 $0x1A00;
	s11 =	simm.s32 $0x3400  }
.LBB2_1:
0xf: {  	[tilespmem:s4], [sflag:$0x1] =	stream.linear.gather [hbm4b:s5+s4], $0x1A00, $0x38;
	[tilespmem:$0x7400] =	vst v63  }
0x10: {  	_ = 	snop  }
0x11: {  	[tilespmem:s10], [sflag:$0x2] =	stream.linear.gather [hbm4b:s6+s4], $0x1A00, $0x38;
	[tilespmem:$0x7400] =	vst v63  }
0x12: {  	_ = 	snop  }
0x13: {  	[tilespmem:s11], [sflag:$0x3] =	stream.linear.gather [hbm4b:s1+s4], $0x3E8, $0x38;
	[tilespmem:$0x7400] =	vst v63  }
0x14: {  	_ = 	snop  }
0x15: {  	[tilespmem:s12], [sflag:$0x5] =	stream.linear.gather [hbm4b:s3+s4], $0x3E8, $0x38;
	[tilespmem:$0x7400] =	vst v63  }
0x16: {  	s22 =	simm.s32 $0x0;
	s23 =	simm.s32 $0x6C00;
	[tilespmem:s15+$0x0] =	vst v0  }
.LBB2_2:
0x17: {  	s22 =	sadd.s32 $0x10, s22  }
0x18: {  	p0 =	slt.u32 s22, $0x3F0  }
.Ltmp0:
0x19: {  	_ = 	snop;
	(pc) =	sbr.rel @p0 .LBB2_2-.Ltmp0, $3  }
0x1a: {  	_ =	sdelay $0x1  }
0x1b: {  	s23 =	sadd.s32 $0x10, s23  }
0x1c: {  	[tilespmem:s23+$0x0] =	vst v0  }
0x1d: {  	_ =	swait.ge [sflag:s13], $0x3E8  }
0x1e: {  	[sflag:s13] =	ssyncset.done $0x0  }
0x1f: {  	[sflag:s13] =	ssyncadd.s32 $0xFFFFFC18  }
0x20: {  	_ =	swait.ge [sflag:s14], $0x3E8  }
0x21: {  	[sflag:s14] =	ssyncset.done $0x0  }
0x22: {  	s23 =	simm.s32 $0x3400;
	[sflag:s14] =	ssyncadd.s32 $0xFFFFFC18  }
0x23: {  	v1 =	vld [tilespmem:s23+$0x0];
	_ =	sdelay $0x1  }
0x24: {  	s22 =	simm.s32 $0x7000  }
0x25: {  	v2 =	vld [tilespmem:s22+$0x0];
	_ =	sdelay $0x3  }
0x26: {  	s24 =	simm.s32 $0x3410;
	s23 =	simm.s32 $0x0  }
.LBB2_4:
0x27: {  	s23 =	sadd.s32 $0x10, s23;
	[tilespmem:v1+s15+$0x0] =	vst.idx.msk $0xffff, v2;
	v1 =	vld [tilespmem:s24+$0x0]  }
0x28: {  	p0 =	slt.u32 s23, $0x3D0  }
0x29: {  	s22 =	sadd.s32 $0x10, s22  }
.Ltmp1:
0x2a: {  	v2 =	vld [tilespmem:s22+$0x0];
	(pc) =	sbr.rel @p0 .LBB2_4-.Ltmp1, $2  }
0x2b: {  	_ =	sdelay $0x2  }
0x2c: {  	s24 =	sadd.s32 $0x10, s24  }
0x2d: {  	_ =	sdelay $0x3  }
0x2e: {  	[tilespmem:v1+s15+$0x0] =	vst.idx.msk $0xffff, v2  }
0x2f: {  	v1 =	vld [tilespmem:$0x37E0];
	_ =	sdelay $0x2  }
0x30: {  	v2 =	vld [tilespmem:$0x73E0];
	_ =	sdelay $0x4  }
0x31: {  	[tilespmem:v1+s15+$0x0] =	vst.idx.msk $0xff, v2  }
0x32: {  	_ =	swait.ge [sflag:s16], $0x1A00  }
0x33: {  	[sflag:s16] =	ssyncset.done $0x0  }
0x34: {  	s22 =	simm.s32 $0x40;
	[sflag:s16] =	ssyncadd.s32 $0xFFFFE600  }
0x35: {  	v2 =	vld [tilespmem:s22+$0x30]  }
0x36: {  	v1 =	vld [tilespmem:s22+$0xFFFFFFD0]  }
0x37: {  	v3 =	vld [tilespmem:s22+$0xFFFFFFE0]  }
0x38: {  	v11 =	vld [tilespmem:s22+$0xFFFFFFC0]  }
0x39: {  	v4 =	vld [tilespmem:s22+$0xFFFFFFF0]  }
0x3a: {  	v7 =	vld [tilespmem:s22+$0x10]  }
0x3b: {  	v5 =	vld [tilespmem:s22+$0x0];
	_ =	sdelay $0x1  }
0x3c: {  	v9 =	vld [tilespmem:s22+$0x20];
	vm0 =	vgt.s32 v2, $0x0;
	vm1 =	vgt.s32 v1, $0x0;
	vm2 =	vgt.s32 v11, $0x0  }
0x3d: {  	v6 =	vnsel vm0, $0x0, v2;
	v8 =	vnsel vm1, $0x0, v1;
	vm0 =	vgt.s32 v3, $0x0  }
0x3e: {  	vm1 =	vgt.s32 v7, $0x0;
	v10 =	vnsel vm0, $0x0, v3;
	vm0 =	vgt.s32 v4, $0x0  }
0x3f: {  	s31 =	simm.s32 $0xC0;
	v6 =	vmin.u32 v6, $0x3E7;
	v12 =	vnsel vm0, $0x0, v4;
	vm0 =	vgt.s32 v5, $0x0  }
0x40: {  	v18 =	vld [tilespmem:s31+$0x0];
	v10 =	vmin.u32 v10, $0x3E7;
	v12 =	vmin.u32 v12, $0x3E7;
	v13 =	vnsel vm0, $0x0, v5  }
0x41: {  	v19 =	vld [tilespmem:s31+$0x10];
	vm0 =	vlt.u32 v1, $0x3E8;
	v1 =	vnsel vm1, $0x0, v7;
	vm1 =	vgt.s32 v9, $0x0  }
0x42: {  	vm4 =	vlt.u32 v3, $0x3E8;
	v3 =	vld [tilespmem:s31+$0xFFFFFFD0];
	v14 =	vmin.u32 v1, $0x3E7;
	v1 =	vnsel vm1, $0x0, v9  }
0x43: {  	v15 =	vnsel vm2, $0x0, v11;
	vm1 =	vlt.u32 v11, $0x3E8;
	v11 =	vmin.u32 v1, $0x3E7;
	v1 =	vld [tilespmem:s31+$0x30]  }
0x44: {  	v8 =	vmin.u32 v8, $0x3E7;
	v6 =	vld.idx.msk [tilespmem:v6+s15+$0x0], $0xffff  }
0x45: {  	vm5 =	vlt.u32 v4, $0x3E8;
	v10 =	vld.idx.msk [tilespmem:v10+s15+$0x0], $0xffff  }
0x46: {  	vm3 =	vlt.u32 v5, $0x3E8;
	vm6 =	vlt.u32 v7, $0x3E8;
	vm7 =	vlt.u32 v9, $0x3E8;
	v12 =	vld.idx.msk [tilespmem:v12+s15+$0x0], $0xffff  }
0x47: {  	vm8 =	vlt.u32 v2, $0x3E8;
	vm10 =	vlt.u32 v18, $0x3E8;
	vm9 =	vlt.u32 v19, $0x3E8;
	v4 =	vld [tilespmem:s31+$0xFFFFFFE0]  }
0x48: {  	v16 =	vld [tilespmem:s31+$0xFFFFFFF0];
	vm3 =	vmmov vm3;
	v15 =	vmin.u32 v15, $0x3E7;
	v13 =	vmin.u32 v13, $0x3E7  }
0x49: {  	vm2 =	vmmov vm1;
	vm1 =	vmmov vm6;
	v8 =	vld.idx.msk [tilespmem:v8+s15+$0x0], $0xffff;
	vm6 =	vgt.s32 v1, $0x0  }
0x4a: {  	v5 =	vnsel vm8, $0xBF800000, v6;
	v2 =	vnsel vm6, $0x0, v1;
	v10 =	vnsel vm4, $0xBF800000, v10  }
0x4b: {  	v21 =	vld [tilespmem:s31+$0x20];
	vm4 =	vlt.u32 v3, $0x3E8;
	v20 =	vnsel vm5, $0xBF800000, v12;
	vm5 =	vgt.s32 v3, $0x0  }
0x4c: {  	v22 =	vmin.u32 v2, $0x3E7;
	v12 =	vld [tilespmem:s31+$0xFFFFFFC0];
	v3 =	vnsel vm5, $0x0, v3;
	vm5 =	vgt.s32 v4, $0x0  }
0x4d: {  	v9 =	vld.idx.msk [tilespmem:v13+s15+$0x0], $0xffff;
	v23 =	vmin.u32 v3, $0x3E7;
	v2 =	vnsel vm5, $0x0, v4;
	vm5 =	vgt.s32 v16, $0x0  }
0x4e: {  	v17 =	vnsel vm0, $0xBF800000, v8;
	v6 =	vld.idx.msk [tilespmem:v15+s15+$0x0], $0xffff;
	v15 =	vmin.u32 v2, $0x3E7;
	v2 =	vnsel vm5, $0x0, v16  }
0x4f: {  	v7 =	vld.idx.msk [tilespmem:v14+s15+$0x0], $0xffff;
	vm0 =	vmmov vm7;
	vm5 =	vgt.s32 v18, $0x0;
	v24 =	vmin.u32 v2, $0x3E7  }
0x50: {  	s22 =	simm.s32 $0x3840;
	v8 =	vld.idx.msk [tilespmem:v11+s15+$0x0], $0xffff;
	vm7 =	vgt.s32 v21, $0x0;
	vm8 =	vlt.u32 v21, $0x3E8;
	v2 =	vnsel vm5, $0x0, v18  }
0x51: {  	[tilespmem:s22+$0x30] =	vst v5;
	vm5 =	vgt.s32 v19, $0x0;
	v13 =	vld.idx.msk [tilespmem:v22+s15+$0x0], $0xffff;
	v2 =	vmin.u32 v2, $0x3E7;
	vm6 =	vgt.s32 v12, $0x0  }
0x52: {  	[tilespmem:s22+$0xFFFFFFD0] =	vst v17;
	v3 =	vnsel vm5, $0x0, v19;
	vm5 =	vlt.u32 v12, $0x3E8;
	v5 =	vnsel vm6, $0x0, v12;
	v12 =	vld.idx.msk [tilespmem:v23+s15+$0x0], $0xffff  }
0x53: {  	[tilespmem:s22+$0xFFFFFFE0] =	vst v10;
	v3 =	vmin.u32 v3, $0x3E7;
	vm6 =	vlt.u32 v4, $0x3E8;
	v4 =	vnsel vm7, $0x0, v21;
	v11 =	vld.idx.msk [tilespmem:v15+s15+$0x0], $0xffff  }
0x54: {  	s24 =	simm.s32 $0x80;
	s25 =	simm.s32 $0x140;
	s23 =	simm.s32 $0x3840;
	[tilespmem:s22+$0xFFFFFFF0] =	vst v20;
	vm7 =	vlt.u32 v16, $0x3E8;
	v4 =	vmin.u32 v4, $0x3E7;
	v5 =	vmin.u32 v5, $0x3E7;
	v10 =	vld.idx.msk [tilespmem:v24+s15+$0x0], $0xffff  }
.LBB2_6:
0x55: {  	v14 =	vld [tilespmem:s25+$0x30];
	s24 =	sadd.s32 $0x80, s24;
	v6 =	vnsel vm2, $0xBF800000, v6;
	v9 =	vnsel vm3, $0xBF800000, v9;
	v7 =	vnsel vm1, $0xBF800000, v7  }
0x56: {  	vm1 =	vlt.u32 v1, $0x3E8;
	v8 =	vnsel vm0, $0xBF800000, v8;
	vm2 =	vmmov vm5;
	v15 =	vld [tilespmem:s25+$0xFFFFFFD0];
	p0 =	slt.u32 s24, $0x1980;
	[tilespmem:s22+$0xFFFFFFC0] =	vst v6  }
0x57: {  	vm3 =	vmmov vm10;
	v1 =	vnsel vm1, $0xBF800000, v13;
	s22 =	sadd.s32 $0x80, s22;
	vm1 =	vmmov vm9;
	v16 =	vld [tilespmem:s25+$0xFFFFFFE0];
	[tilespmem:s23+$0x0] =	vst v9  }
0x58: {  	vm0 =	vmmov vm8;
	v6 =	vnsel vm4, $0xBF800000, v12;
	v17 =	vld [tilespmem:s25+$0xFFFFFFF0];
	[tilespmem:s22+$0x30] =	vst v1  }
0x59: {  	v9 =	vnsel vm6, $0xBF800000, v11;
	v18 =	vld [tilespmem:s25+$0x0];
	[tilespmem:s22+$0xFFFFFFD0] =	vst v6  }
0x5a: {  	v6 =	vnsel vm7, $0xBF800000, v10;
	v19 =	vld [tilespmem:s25+$0x10];
	vm5 =	vgt.s32 v14, $0x0;
	[tilespmem:s22+$0xFFFFFFE0] =	vst v9;
	v1 =	vmov v14  }
0x5b: {  	vm4 =	vlt.u32 v15, $0x3E8;
	vm6 =	vgt.s32 v15, $0x0;
	v14 =	vld [tilespmem:s25+$0x20];
	v9 =	vnsel vm5, $0x0, v1;
	[tilespmem:s22+$0xFFFFFFF0] =	vst v6  }
0x5c: {  	v10 =	vld [tilespmem:s25+$0xFFFFFFC0];
	v6 =	vnsel vm6, $0x0, v15;
	vm5 =	vgt.s32 v16, $0x0;
	v11 =	vmin.u32 v9, $0x3E7;
	[tilespmem:s23+$0x10] =	vst v7  }
0x5d: {  	v12 =	vmin.u32 v6, $0x3E7;
	v7 =	vnsel vm5, $0x0, v16;
	vm5 =	vgt.s32 v17, $0x0;
	v6 =	vld.idx.msk [tilespmem:v5+s15+$0x0], $0xffff;
	[tilespmem:s23+$0x20] =	vst v8;
	s23 =	smov.u32 s22  }
0x5e: {  	v15 =	vmin.u32 v7, $0x3E7;
	v5 =	vnsel vm5, $0x0, v17;
	vm5 =	vgt.s32 v18, $0x0;
	v9 =	vld.idx.msk [tilespmem:v2+s15+$0x0], $0xffff  }
0x5f: {  	v20 =	vmin.u32 v5, $0x3E7;
	v2 =	vnsel vm5, $0x0, v18;
	vm5 =	vgt.s32 v19, $0x0;
	v7 =	vld.idx.msk [tilespmem:v3+s15+$0x0], $0xffff  }
.Ltmp2:
0x60: {  	v2 =	vmin.u32 v2, $0x3E7;
	v3 =	vnsel vm5, $0x0, v19;
	vm5 =	vgt.s32 v14, $0x0;
	v8 =	vld.idx.msk [tilespmem:v4+s15+$0x0], $0xffff;
	(pc) =	sbr.rel @p0 .LBB2_6-.Ltmp2, $4  }
0x61: {  	vm6 =	vgt.s32 v10, $0x0;
	v3 =	vmin.u32 v3, $0x3E7;
	v4 =	vnsel vm5, $0x0, v14;
	v13 =	vld.idx.msk [tilespmem:v11+s15+$0x0], $0xffff  }
0x62: {  	vm5 =	vlt.u32 v10, $0x3E8;
	v5 =	vnsel vm6, $0x0, v10;
	v12 =	vld.idx.msk [tilespmem:v12+s15+$0x0], $0xffff;
	v4 =	vmin.u32 v4, $0x3E7  }
0x63: {  	vm7 =	vlt.u32 v17, $0x3E8;
	vm6 =	vlt.u32 v16, $0x3E8;
	v5 =	vmin.u32 v5, $0x3E7;
	v11 =	vld.idx.msk [tilespmem:v15+s15+$0x0], $0xffff  }
0x64: {  	s25 =	sadd.s32 $0x80, s25;
	vm10 =	vlt.u32 v18, $0x3E8;
	vm9 =	vlt.u32 v19, $0x3E8;
	vm8 =	vlt.u32 v14, $0x3E8;
	v10 =	vld.idx.msk [tilespmem:v20+s15+$0x0], $0xffff  }
0x65: {  	_ =	sdelay $0x1  }
0x66: {  	v6 =	vnsel vm2, $0xBF800000, v6  }
0x67: {  	v9 =	vnsel vm3, $0xBF800000, v9;
	vm2 =	vlt.u32 v1, $0x3E8;
	[tilespmem:s22+$0xFFFFFFC0] =	vst v6  }
0x68: {  	s29 =	sadd.s32 $0x80, s22;
	v2 =	vld.idx.msk [tilespmem:v2+s15+$0x0], $0xffff;
	v1 =	vnsel vm2, $0xBF800000, v13;
	[tilespmem:s23+$0x0] =	vst v9  }
0x69: {  	v4 =	vld.idx.msk [tilespmem:v4+s15+$0x0], $0xffff;
	v6 =	vnsel vm4, $0xBF800000, v12;
	[tilespmem:s29+$0x30] =	vst v1  }
0x6a: {  	v1 =	vld.idx.msk [tilespmem:v5+s15+$0x0], $0xffff;
	[tilespmem:s29+$0xFFFFFFD0] =	vst v6;
	v5 =	vnsel vm6, $0xBF800000, v11  }
0x6b: {  	v6 =	vnsel vm1, $0xBF800000, v7;
	[tilespmem:s29+$0xFFFFFFE0] =	vst v5  }
0x6c: {  	v3 =	vld.idx.msk [tilespmem:v3+s15+$0x0], $0xffff;
	v5 =	vnsel vm7, $0xBF800000, v10;
	[tilespmem:s23+$0x10] =	vst v6  }
0x6d: {  	vm1 =	vmmov vm10;
	[tilespmem:s29+$0xFFFFFFF0] =	vst v5;
	v5 =	vnsel vm0, $0xBF800000, v8  }
0x6e: {  	v2 =	vnsel vm1, $0xBF800000, v2;
	vm1 =	vmmov vm8;
	[tilespmem:s23+$0x20] =	vst v5  }
0x6f: {  	vm0 =	vmmov vm5;
	[tilespmem:s29+$0x0] =	vst v2;
	v2 =	vnsel vm1, $0xBF800000, v4  }
0x70: {  	v1 =	vnsel vm0, $0xBF800000, v1;
	vm0 =	vmmov vm9;
	[tilespmem:s29+$0x20] =	vst v2  }
0x71: {  	[tilespmem:s29+$0xFFFFFFC0] =	vst v1;
	v1 =	vnsel vm0, $0xBF800000, v3  }
0x72: {  	[tilespmem:s29+$0x10] =	vst v1  }
0x73: {  	[hbm4b:s7+s4] =	stream.linear.scatter [tilespmem:s17], [sflag:$0x4], $0x1A00, $0x38;
	[tilespmem:$0x7400] =	vst v63  }
0x74: {  	_ =	swait.ge [sflag:s18], $0x1A00  }
0x75: {  	[sflag:s18] =	ssyncset.done $0x0  }
0x76: {  	s30 =	simm.s32 $0x1A70;
	[sflag:s18] =	ssyncadd.s32 $0xFFFFE600  }
0x77: {  	v2 =	vld [tilespmem:s30+$0x0]  }
0x78: {  	v1 =	vld [tilespmem:s30+$0xFFFFFFA0]  }
0x79: {  	v3 =	vld [tilespmem:s30+$0xFFFFFFB0]  }
0x7a: {  	v11 =	vld [tilespmem:s30+$0xFFFFFF90]  }
0x7b: {  	v4 =	vld [tilespmem:s30+$0xFFFFFFC0]  }
0x7c: {  	v7 =	vld [tilespmem:s30+$0xFFFFFFE0]  }
0x7d: {  	v5 =	vld [tilespmem:s30+$0xFFFFFFD0];
	_ =	sdelay $0x1  }
0x7e: {  	v9 =	vld [tilespmem:s30+$0xFFFFFFF0];
	vm0 =	vgt.s32 v2, $0x0;
	vm1 =	vgt.s32 v1, $0x0;
	vm2 =	vgt.s32 v11, $0x0  }
0x7f: {  	v6 =	vnsel vm0, $0x0, v2;
	v8 =	vnsel vm1, $0x0, v1;
	vm0 =	vgt.s32 v3, $0x0  }
0x80: {  	vm1 =	vgt.s32 v7, $0x0;
	v10 =	vnsel vm0, $0x0, v3;
	vm0 =	vgt.s32 v4, $0x0  }
0x81: {  	s31 =	simm.s32 $0x1AF0;
	v6 =	vmin.u32 v6, $0x3E7;
	v12 =	vnsel vm0, $0x0, v4;
	vm0 =	vgt.s32 v5, $0x0  }
0x82: {  	v18 =	vld [tilespmem:s31+$0xFFFFFFD0];
	v10 =	vmin.u32 v10, $0x3E7;
	v12 =	vmin.u32 v12, $0x3E7;
	v13 =	vnsel vm0, $0x0, v5  }
0x83: {  	v19 =	vld [tilespmem:s31+$0xFFFFFFE0];
	vm0 =	vlt.u32 v1, $0x3E8;
	v1 =	vnsel vm1, $0x0, v7;
	vm1 =	vgt.s32 v9, $0x0  }
0x84: {  	vm4 =	vlt.u32 v3, $0x3E8;
	v3 =	vld [tilespmem:s31+$0xFFFFFFA0];
	v14 =	vmin.u32 v1, $0x3E7;
	v1 =	vnsel vm1, $0x0, v9  }
0x85: {  	v15 =	vnsel vm2, $0x0, v11;
	vm1 =	vlt.u32 v11, $0x3E8;
	v11 =	vmin.u32 v1, $0x3E7;
	v1 =	vld [tilespmem:s31+$0x0]  }
0x86: {  	v8 =	vmin.u32 v8, $0x3E7;
	v6 =	vld.idx.msk [tilespmem:v6+s15+$0x0], $0xffff  }
0x87: {  	vm5 =	vlt.u32 v4, $0x3E8;
	v10 =	vld.idx.msk [tilespmem:v10+s15+$0x0], $0xffff  }
0x88: {  	vm3 =	vlt.u32 v5, $0x3E8;
	vm6 =	vlt.u32 v7, $0x3E8;
	vm7 =	vlt.u32 v9, $0x3E8;
	v12 =	vld.idx.msk [tilespmem:v12+s15+$0x0], $0xffff  }
0x89: {  	vm8 =	vlt.u32 v2, $0x3E8;
	vm10 =	vlt.u32 v18, $0x3E8;
	vm9 =	vlt.u32 v19, $0x3E8;
	v4 =	vld [tilespmem:s31+$0xFFFFFFB0]  }
0x8a: {  	v16 =	vld [tilespmem:s31+$0xFFFFFFC0];
	vm3 =	vmmov vm3;
	v15 =	vmin.u32 v15, $0x3E7;
	v13 =	vmin.u32 v13, $0x3E7  }
0x8b: {  	vm2 =	vmmov vm1;
	vm1 =	vmmov vm6;
	v8 =	vld.idx.msk [tilespmem:v8+s15+$0x0], $0xffff;
	vm6 =	vgt.s32 v1, $0x0  }
0x8c: {  	v5 =	vnsel vm8, $0xBF800000, v6;
	v2 =	vnsel vm6, $0x0, v1;
	v10 =	vnsel vm4, $0xBF800000, v10  }
0x8d: {  	v21 =	vld [tilespmem:s31+$0xFFFFFFF0];
	vm4 =	vlt.u32 v3, $0x3E8;
	v20 =	vnsel vm5, $0xBF800000, v12;
	vm5 =	vgt.s32 v3, $0x0  }
0x8e: {  	v22 =	vmin.u32 v2, $0x3E7;
	v12 =	vld [tilespmem:s31+$0xFFFFFF90];
	v3 =	vnsel vm5, $0x0, v3;
	vm5 =	vgt.s32 v4, $0x0  }
0x8f: {  	v9 =	vld.idx.msk [tilespmem:v13+s15+$0x0], $0xffff;
	v23 =	vmin.u32 v3, $0x3E7;
	v2 =	vnsel vm5, $0x0, v4;
	vm5 =	vgt.s32 v16, $0x0  }
0x90: {  	v17 =	vnsel vm0, $0xBF800000, v8;
	v6 =	vld.idx.msk [tilespmem:v15+s15+$0x0], $0xffff;
	v15 =	vmin.u32 v2, $0x3E7;
	v2 =	vnsel vm5, $0x0, v16  }
0x91: {  	v7 =	vld.idx.msk [tilespmem:v14+s15+$0x0], $0xffff;
	vm0 =	vmmov vm7;
	vm5 =	vgt.s32 v18, $0x0;
	v24 =	vmin.u32 v2, $0x3E7  }
0x92: {  	s22 =	simm.s32 $0x5270;
	v8 =	vld.idx.msk [tilespmem:v11+s15+$0x0], $0xffff;
	vm7 =	vgt.s32 v21, $0x0;
	vm8 =	vlt.u32 v21, $0x3E8;
	v2 =	vnsel vm5, $0x0, v18  }
0x93: {  	[tilespmem:s22+$0x0] =	vst v5;
	vm5 =	vgt.s32 v19, $0x0;
	v13 =	vld.idx.msk [tilespmem:v22+s15+$0x0], $0xffff;
	v2 =	vmin.u32 v2, $0x3E7;
	vm6 =	vgt.s32 v12, $0x0  }
0x94: {  	[tilespmem:s22+$0xFFFFFFA0] =	vst v17;
	v3 =	vnsel vm5, $0x0, v19;
	vm5 =	vlt.u32 v12, $0x3E8;
	v5 =	vnsel vm6, $0x0, v12;
	v12 =	vld.idx.msk [tilespmem:v23+s15+$0x0], $0xffff  }
0x95: {  	[tilespmem:s22+$0xFFFFFFB0] =	vst v10;
	v3 =	vmin.u32 v3, $0x3E7;
	vm6 =	vlt.u32 v4, $0x3E8;
	v4 =	vnsel vm7, $0x0, v21;
	v11 =	vld.idx.msk [tilespmem:v15+s15+$0x0], $0xffff  }
0x96: {  	s24 =	simm.s32 $0x1A80;
	s25 =	simm.s32 $0x1B70;
	s23 =	simm.s32 $0x5270;
	[tilespmem:s22+$0xFFFFFFC0] =	vst v20;
	vm7 =	vlt.u32 v16, $0x3E8;
	v4 =	vmin.u32 v4, $0x3E7;
	v5 =	vmin.u32 v5, $0x3E7;
	v10 =	vld.idx.msk [tilespmem:v24+s15+$0x0], $0xffff  }
.LBB2_8:
0x97: {  	v14 =	vld [tilespmem:s25+$0x0];
	s24 =	sadd.s32 $0x80, s24;
	v6 =	vnsel vm2, $0xBF800000, v6;
	v9 =	vnsel vm3, $0xBF800000, v9;
	v7 =	vnsel vm1, $0xBF800000, v7  }
0x98: {  	vm1 =	vlt.u32 v1, $0x3E8;
	v8 =	vnsel vm0, $0xBF800000, v8;
	vm2 =	vmmov vm5;
	v15 =	vld [tilespmem:s25+$0xFFFFFFA0];
	p0 =	slt.u32 s24, $0x3380;
	[tilespmem:s22+$0xFFFFFF90] =	vst v6  }
0x99: {  	vm3 =	vmmov vm10;
	v1 =	vnsel vm1, $0xBF800000, v13;
	s22 =	sadd.s32 $0x80, s22;
	vm1 =	vmmov vm9;
	v16 =	vld [tilespmem:s25+$0xFFFFFFB0];
	[tilespmem:s23+$0xFFFFFFD0] =	vst v9  }
0x9a: {  	vm0 =	vmmov vm8;
	v6 =	vnsel vm4, $0xBF800000, v12;
	v17 =	vld [tilespmem:s25+$0xFFFFFFC0];
	[tilespmem:s22+$0x0] =	vst v1  }
0x9b: {  	v9 =	vnsel vm6, $0xBF800000, v11;
	v18 =	vld [tilespmem:s25+$0xFFFFFFD0];
	[tilespmem:s22+$0xFFFFFFA0] =	vst v6  }
0x9c: {  	v6 =	vnsel vm7, $0xBF800000, v10;
	v19 =	vld [tilespmem:s25+$0xFFFFFFE0];
	vm5 =	vgt.s32 v14, $0x0;
	[tilespmem:s22+$0xFFFFFFB0] =	vst v9;
	v1 =	vmov v14  }
0x9d: {  	vm4 =	vlt.u32 v15, $0x3E8;
	vm6 =	vgt.s32 v15, $0x0;
	v14 =	vld [tilespmem:s25+$0xFFFFFFF0];
	v9 =	vnsel vm5, $0x0, v1;
	[tilespmem:s22+$0xFFFFFFC0] =	vst v6  }
0x9e: {  	v10 =	vld [tilespmem:s25+$0xFFFFFF90];
	v6 =	vnsel vm6, $0x0, v15;
	vm5 =	vgt.s32 v16, $0x0;
	v11 =	vmin.u32 v9, $0x3E7;
	[tilespmem:s23+$0xFFFFFFE0] =	vst v7  }
0x9f: {  	v12 =	vmin.u32 v6, $0x3E7;
	v7 =	vnsel vm5, $0x0, v16;
	vm5 =	vgt.s32 v17, $0x0;
	v6 =	vld.idx.msk [tilespmem:v5+s15+$0x0], $0xffff;
	[tilespmem:s23+$0xFFFFFFF0] =	vst v8;
	s23 =	smov.u32 s22  }
0xa0: {  	v15 =	vmin.u32 v7, $0x3E7;
	v5 =	vnsel vm5, $0x0, v17;
	vm5 =	vgt.s32 v18, $0x0;
	v9 =	vld.idx.msk [tilespmem:v2+s15+$0x0], $0xffff  }
0xa1: {  	v20 =	vmin.u32 v5, $0x3E7;
	v2 =	vnsel vm5, $0x0, v18;
	vm5 =	vgt.s32 v19, $0x0;
	v7 =	vld.idx.msk [tilespmem:v3+s15+$0x0], $0xffff  }
.Ltmp3:
0xa2: {  	v2 =	vmin.u32 v2, $0x3E7;
	v3 =	vnsel vm5, $0x0, v19;
	vm5 =	vgt.s32 v14, $0x0;
	v8 =	vld.idx.msk [tilespmem:v4+s15+$0x0], $0xffff;
	(pc) =	sbr.rel @p0 .LBB2_8-.Ltmp3, $4  }
0xa3: {  	vm6 =	vgt.s32 v10, $0x0;
	v3 =	vmin.u32 v3, $0x3E7;
	v4 =	vnsel vm5, $0x0, v14;
	v13 =	vld.idx.msk [tilespmem:v11+s15+$0x0], $0xffff  }
0xa4: {  	vm5 =	vlt.u32 v10, $0x3E8;
	v5 =	vnsel vm6, $0x0, v10;
	v12 =	vld.idx.msk [tilespmem:v12+s15+$0x0], $0xffff;
	v4 =	vmin.u32 v4, $0x3E7  }
0xa5: {  	vm7 =	vlt.u32 v17, $0x3E8;
	vm6 =	vlt.u32 v16, $0x3E8;
	v5 =	vmin.u32 v5, $0x3E7;
	v11 =	vld.idx.msk [tilespmem:v15+s15+$0x0], $0xffff  }
0xa6: {  	s25 =	sadd.s32 $0x80, s25;
	vm10 =	vlt.u32 v18, $0x3E8;
	vm9 =	vlt.u32 v19, $0x3E8;
	vm8 =	vlt.u32 v14, $0x3E8;
	v10 =	vld.idx.msk [tilespmem:v20+s15+$0x0], $0xffff  }
0xa7: {  	_ = 	snop  }
0xa8: {  	v6 =	vnsel vm2, $0xBF800000, v6  }
0xa9: {  	v9 =	vnsel vm3, $0xBF800000, v9;
	[tilespmem:s22+$0xFFFFFF90] =	vst v6  }
0xaa: {  	v62 =	vnsel vm1, $0xBF800000, v7;
	[tilespmem:s23+$0xFFFFFFD0] =	vst v9  }
0xab: {  	vm11 =	vlt.u32 v1, $0x3E8;
	v2 =	vld.idx.msk [tilespmem:v2+s15+$0x0], $0xffff;
	v63 =	vnsel vm0, $0xBF800000, v8;
	[tilespmem:s23+$0xFFFFFFE0] =	vst v62  }
0xac: {  	s31 =	sadd.s32 $0x80, s22;
	v4 =	vld.idx.msk [tilespmem:v4+s15+$0x0], $0xffff;
	v1 =	vnsel vm11, $0xBF800000, v13;
	[tilespmem:s23+$0xFFFFFFF0] =	vst v63  }
0xad: {  	v59 =	vnsel vm4, $0xBF800000, v12;
	[tilespmem:s31+$0x0] =	vst v1;
	v1 =	vld.idx.msk [tilespmem:v5+s15+$0x0], $0xffff  }
0xae: {  	v3 =	vld.idx.msk [tilespmem:v3+s15+$0x0], $0xffff;
	[tilespmem:s31+$0xFFFFFFA0] =	vst v59;
	v60 =	vnsel vm6, $0xBF800000, v11  }
0xaf: {  	vm13 =	vmmov vm10;
	[tilespmem:s31+$0xFFFFFFB0] =	vst v60;
	v61 =	vnsel vm7, $0xBF800000, v10  }
0xb0: {  	vm15 =	vmmov vm8;
	[tilespmem:s31+$0xFFFFFFC0] =	vst v61;
	v2 =	vnsel vm13, $0xBF800000, v2  }
0xb1: {  	vm12 =	vmmov vm5;
	[tilespmem:s31+$0xFFFFFFD0] =	vst v2;
	v2 =	vnsel vm15, $0xBF800000, v4  }
0xb2: {  	vm14 =	vmmov vm9;
	v1 =	vnsel vm12, $0xBF800000, v1;
	[tilespmem:s31+$0xFFFFFFF0] =	vst v2  }
0xb3: {  	[tilespmem:s31+$0xFFFFFF90] =	vst v1;
	v1 =	vnsel vm14, $0xBF800000, v3  }
0xb4: {  	s21 =	sadd.s32 $0x1, s21;
	[tilespmem:s31+$0xFFFFFFE0] =	vst v1  }
0xb5: {  	[hbm4b:s8+s4] =	stream.linear.scatter [tilespmem:s19], [sflag:$0x4], $0x1A00, $0x38;
	[tilespmem:$0x7400] =	vst v63  }
0xb6: {  	p0 =	sne.s32 s21, s9;
	_ =	swait.ge [sflag:s20], $0x1A00  }
.Ltmp4:
0xb7: {  	[sflag:s20] =	ssyncset.done $0x0;
	(pc) =	sbr.rel @p0 .LBB2_1-.Ltmp4, $4  }
0xb8: {  	[sflag:s20] =	ssyncadd.s32 $0xFFFFE600  }
0xb9: {  	_ =	swait.ge [sflag:s20], $0x1A00  }
0xba: {  	[sflag:s20] =	ssyncset.done $0x0  }
0xbb: {  	[sflag:s20] =	ssyncadd.s32 $0xFFFFE600  }
0xbc: {  	_ =	sfence.sel $0x180000  }
0xbd: {  	[bflag:$0x0] =	sbarrier.arrive $0xFFFF  }
0xbe: {  	p0 =	sne.s32 s0, $0x0;
	_ =	strace $0x90000047  }
0xbf: {  	s0 =	sadd.s32 @!p0 $0x100000, s2;
	[bflag:$0x2] =	sbarrier.arrive $0xFFFF  }
0xc0: {  	[sflag:s0] =	ssyncadd.tile.s32 @!p0 $0x1;
	_ =	shalt  }
.Lfunc_end2:
_tile_overlayer_lowered:
.L_overlay_start_2:
0xc1: {  	(tag) =	ssettag $0x2  }
0xc2: {  	s0 =	rddreg [dreg:$0x0];
	s2 =	stileid.u32  }
0xc3: {  	s1 =	rddreg [dreg:$0x1];
	p0 =	sne.s32 s2, $0x0  }
0xc4: {  	s3 =	rddreg [dreg:$0x2];
	[bflag:$0x3] =	sbarrier.arrive $0xFFFF;
	s2 =	simm.s32 @!p0 $0x1C06  }
0xc5: {  	[timem:s3], [sflag:s2] =	dma.local @!p0 [hbm:s0], s1  }
0xc6: {  	s0 =	simm.s32 @!p0 $0x6  }
0xc7: {  	_ =	swait.ge @!p0 [sflag:s0], s1  }
0xc8: {  	s1 =	ssub.s32 @!p0 $0x0, s1;
	[sflag:s0] =	ssyncset.done @!p0 $0x0  }
0xc9: {  	[sflag:s0] =	ssyncadd.s32 @!p0 s1  }
0xca: {  	[bflag:$0x3] =	sbarrier.arrive $0xFFFF  }
0xcb: {  	_ =	shalt  }

</sc_bundles>
